<compile_context>
chip_gen: v7x
topology: tpu7x:2x2x1
jax: 0.10.2.dev20260603
libtpu: 0.0.44.dev20260713+nightly
codegen_flags: <defaults>
</compile_context>

<pallas_src>
import functools

import jax
import jax.numpy as jnp
from jax import lax
from jax.experimental import pallas as pl
from jax.experimental.pallas import tpu as pltpu
from jax.experimental.pallas import tpu_sc as plsc

N_ROWS = 100000
N_FEAT = 12
NW = 32
ROWS_W = 3120
REM_ROWS = N_ROWS - NW * ROWS_W


def _sc_partial_sums(xp):
    mesh = plsc.VectorSubcoreMesh(core_axis_name="c", subcore_axis_name="s")

    @functools.partial(
        pl.kernel,
        mesh=mesh,
        compiler_params=pltpu.CompilerParams(
            use_tc_tiling_on_sc=False, needs_layout_passes=False
        ),
        out_type=jax.ShapeDtypeStruct((NW, 16), jnp.float32),
        scratch_types=[
            pltpu.VMEM((ROWS_W, 16), jnp.float32),
            pltpu.VMEM((16,), jnp.float32),
        ],
    )
    def k(x_hbm, out_hbm, rows_v, acc_v):
        wid = lax.axis_index("s") * 2 + lax.axis_index("c")
        base = pl.multiple_of(wid * ROWS_W, 8)
        pltpu.sync_copy(x_hbm.at[pl.ds(base, ROWS_W)], rows_v)

        def body(r, carry):
            a0, a1, a2, a3 = carry
            rr = r * 4
            return (
                a0 + rows_v[rr],
                a1 + rows_v[rr + 1],
                a2 + rows_v[rr + 2],
                a3 + rows_v[rr + 3],
            )

        zero = jnp.zeros((16,), jnp.float32)
        a0, a1, a2, a3 = lax.fori_loop(
            0, ROWS_W // 4, body, (zero, zero, zero, zero)
        )
        acc_v[...] = (a0 + a1) + (a2 + a3)
        pltpu.sync_copy(acc_v, out_hbm.at[wid])

    return k(xp)


def _tc_head(partials, x, Wa1, ba1, Wa5, ba5):
    def _kern(p_ref, xr_ref, wa1_ref, ba1_ref, wa5_ref, ba5_ref, out_ref):
        colsum = jnp.sum(p_ref[...], axis=0, keepdims=True)
        lane = lax.broadcasted_iota(jnp.int32, (16, 12), 0)
        feat = lax.broadcasted_iota(jnp.int32, (16, 12), 1)
        onehot = (lane == feat).astype(jnp.float32)
        folded = jnp.dot(colsum, onehot, preferred_element_type=jnp.float32)
        rem = jnp.sum(xr_ref[...], axis=0, keepdims=True)
        x_prime = (folded + rem) * (2.0 / N_ROWS)
        a1 = jnp.sum(wa1_ref[...] * x_prime, axis=1, keepdims=True).T
        a1 = jnp.maximum(a1 + ba1_ref[...], 0.0)
        out_ref[...] = (
            jnp.sum(a1 * wa5_ref[...], axis=1, keepdims=True) + ba5_ref[...]
        )

    return pl.pallas_call(
        _kern,
        grid=(1,),
        in_specs=[
            pl.BlockSpec((NW, 16), lambda i: (0, 0)),
            pl.BlockSpec((REM_ROWS, N_FEAT), lambda i: (NW * ROWS_W // REM_ROWS, 0)),
            pl.BlockSpec((11, 12), lambda i: (0, 0)),
            pl.BlockSpec((1, 11), lambda i: (0, 0)),
            pl.BlockSpec((1, 11), lambda i: (0, 0)),
            pl.BlockSpec((1, 1), lambda i: (0, 0)),
        ],
        out_specs=pl.BlockSpec((1, 1), lambda i: (0, 0)),
        out_shape=jax.ShapeDtypeStruct((1, 1), jnp.float32),
    )(partials, x, Wa1, ba1.reshape(1, 11), Wa5, ba5.reshape(1, 1))


def kernel(x, edge_index, W1_rel, b1_rel, W1_root, W2_rel, b2_rel, W2_root,
           Wa1, ba1, Wa5, ba5):
    del edge_index, W1_rel, b1_rel, W1_root, W2_rel, b2_rel, W2_root
    xp = jnp.pad(x, ((0, 0), (0, 4)))
    partials = _sc_partial_sums(xp)
    return _tc_head(partials, x, Wa1, ba1, Wa5, ba5)

# --- scband reference (transcript-rebuilt; emitter-appended) ---
"""Pipeline reference for scband-gcritic-78417512890497 (READ-ONLY COPY).

The authoritative reference and input builder live on the scoring server;
editing this copy changes nothing except your own understanding.
"""

import jax, jax.numpy as jnp
import numpy as np

N = 100000
E = 3200000
D = 12
H = 64


def setup_inputs(seed: int = 0) -> dict:
    key = jax.random.key(seed)
    ks = jax.random.split(key, 12)
    inp = {}
    inp["x"] = jax.random.normal(ks[0], (N, D), dtype=jnp.float32)
    inp["edge_index"] = jax.random.randint(ks[1], (2, E), 0, N, dtype=jnp.int32)
    s = 1.0 / np.sqrt(D)
    inp["W1_rel"] = jax.random.normal(ks[2], (H, D), dtype=jnp.float32) * s
    inp["b1_rel"] = jax.random.normal(ks[3], (H,), dtype=jnp.float32) * s
    inp["W1_root"] = jax.random.normal(ks[4], (H, D), dtype=jnp.float32) * s
    inp["W2_rel"] = jax.random.normal(ks[5], (H, D), dtype=jnp.float32) * s
    inp["b2_rel"] = jax.random.normal(ks[6], (H,), dtype=jnp.float32) * s
    inp["W2_root"] = jax.random.normal(ks[7], (H, D), dtype=jnp.float32) * s
    sa = 1.0 / np.sqrt(12)
    inp["Wa1"] = jax.random.normal(ks[8], (11, 12), dtype=jnp.float32) * sa
    inp["ba1"] = jax.random.normal(ks[9], (11,), dtype=jnp.float32) * sa
    sb = 1.0 / np.sqrt(11)
    inp["Wa5"] = jax.random.normal(ks[10], (1, 11), dtype=jnp.float32) * sb
    inp["ba5"] = jax.random.normal(ks[11], (1,), dtype=jnp.float32) * sb
    return inp


def _graph_conv(x, src, dst, W_rel, b_rel, W_root):
    # PyG GraphConv: out = lin_rel(sum_{j in N(i)} x_j) + lin_root(x_i)
    agg = jax.ops.segment_sum(x[src], dst, num_segments=x.shape[0])
    return agg @ W_rel.T + b_rel + x @ W_root.T


def reference(x, edge_index, W1_rel, b1_rel, W1_root, W2_rel, b2_rel, W2_root, Wa1, ba1, Wa5, ba5):
    src = edge_index[0]
    dst = edge_index[1]
    # conv outputs are computed then immediately overwritten by the pooled
    # raw features (faithful to the variable-reassignment bug in the original)
    _x1c = jax.nn.relu(_graph_conv(x, src, dst, W1_rel, b1_rel, W1_root))
    x1 = jnp.mean(x, axis=0, keepdims=True)  # gap(x, zeros) == global mean pool, single graph
    _x2c = jax.nn.relu(_graph_conv(x, src, dst, W2_rel, b2_rel, W2_root))
    x2 = jnp.mean(x, axis=0, keepdims=True)
    x_prime = x1 + x2
    action1 = jax.nn.relu(x_prime @ Wa1.T + ba1)
    action5 = action1 @ Wa5.T + ba5
    return action5

if __name__ == "__main__":
    import jax
    _d = setup_inputs()
    print(jax.jit(kernel)(*tuple(_d.values())))

</pallas_src>

<mosaic_0001>
#map = affine_map<(d0, d1) -> (0, 0)>
module attributes {stable_mosaic.version = 14 : i64} {
  func.func @k(%arg0: i32, %arg1: i32, %arg2: memref<100000x16xf32, #tpu.memory_space<hbm>>, %arg3: memref<32x16xf32, #tpu.memory_space<hbm>>, %arg4: memref<3120x16xf32, #tpu.memory_space<vmem>>, %arg5: memref<16xf32, #tpu.memory_space<vmem>>) attributes {dimension_semantics = [#tpu.dimension_semantics<core_parallel>, #tpu.dimension_semantics<subcore_parallel>], iteration_bounds = array<i64: 2, 16>, scalar_prefetch = 0 : i64, scratch_operands = 2 : i64, tpu.core_type = #tpu.core_type<sc_vector_subcore>, window_params = [{transform_indices = #map}, {transform_indices = #map}]} {
    %mul3A = arith.constant 2 : i32
    %mul3A_0 = arith.muli %arg1, %mul3A : i32
    %add3A = arith.addi %mul3A_0, %arg0 : i32
    %mul3A_1 = arith.constant 3120 : i32
    %mul3A_2 = arith.muli %add3A, %mul3A_1 : i32
    %multiple_of3A = tpu.assume_multiple %mul3A_2, 8 : i32
    "tpu.region"() ({
      %run_scoped3A = tpu.sem_alloc : memref<!tpu.dma_semaphore, #tpu.memory_space<semaphore_mem>>
      %dma_start3A = arith.constant 0 : i32
      %dma_start3A_13 = tpu.memref_slice %arg2[%multiple_of3A, %dma_start3A] : memref<100000x16xf32, #tpu.memory_space<hbm>> -> memref<3120x16xf32, #tpu.memory_space<hbm>>
      %dma_start3A_14 = arith.constant 0 : i32
      %dma_start3A_15 = tpu.memref_slice %arg2[%multiple_of3A, %dma_start3A_14] : memref<100000x16xf32, #tpu.memory_space<hbm>> -> memref<3120x16xf32, #tpu.memory_space<hbm>>
      tpu.enqueue_dma source(%dma_start3A_15 : memref<3120x16xf32, #tpu.memory_space<hbm>>) target(%arg4 : memref<3120x16xf32, #tpu.memory_space<vmem>>) target_semaphore(%run_scoped3A : memref<!tpu.dma_semaphore, #tpu.memory_space<semaphore_mem>>)
      %dma_wait3A = arith.constant 0 : i32
      %dma_wait3A_16 = tpu.memref_slice %arg2[%multiple_of3A, %dma_wait3A] : memref<100000x16xf32, #tpu.memory_space<hbm>> -> memref<3120x16xf32, #tpu.memory_space<hbm>>
      %dma_wait3A_17 = arith.constant 0 : i32
      %dma_wait3A_18 = tpu.memref_slice %arg2[%multiple_of3A, %dma_wait3A_17] : memref<100000x16xf32, #tpu.memory_space<hbm>> -> memref<3120x16xf32, #tpu.memory_space<hbm>>
      tpu.wait_dma2 semaphore(%run_scoped3A : memref<!tpu.dma_semaphore, #tpu.memory_space<semaphore_mem>>) src(%dma_wait3A_18 : memref<3120x16xf32, #tpu.memory_space<hbm>>) dst(%arg4 : memref<3120x16xf32, #tpu.memory_space<vmem>>)
      tpu.yield
    }) : () -> ()
    %broadcast_in_dim3A = arith.constant 0.000000e+00 : f32
    %broadcast_in_dim3A_3 = vector.broadcast %broadcast_in_dim3A : f32 to vector<16xf32>
    %scan3A = arith.constant 0 : i32
    %scan3A_4 = arith.constant 780 : i32
    %scan3A_5 = arith.addi %scan3A, %scan3A_4 : i32
    %scan3A_6 = arith.constant 1 : i32
    %scan3A_7:4 = scf.for %scan3A_13 = %scan3A to %scan3A_5 step %scan3A_6 iter_args(%scan3A_14 = %broadcast_in_dim3A_3, %scan3A_15 = %broadcast_in_dim3A_3, %scan3A_16 = %broadcast_in_dim3A_3, %scan3A_17 = %broadcast_in_dim3A_3) -> (vector<16xf32>, vector<16xf32>, vector<16xf32>, vector<16xf32>)  : i32 {
      %mul3A_18 = arith.constant 4 : i32
      %mul3A_19 = arith.muli %scan3A_13, %mul3A_18 : i32
      %get3A = arith.index_cast %mul3A_19 : i32 to index
      %get3A_20 = arith.constant 0 : index
      %get3A_21 = tpu.vector_load %arg4[%get3A, %get3A_20] {strides = array<i32>} : memref<3120x16xf32, #tpu.memory_space<vmem>>, vector<16xf32>,
      %add3A_22 = arith.addf %scan3A_14, %get3A_21 : vector<16xf32>
      %add3A_23 = arith.constant 1 : i32
      %add3A_24 = arith.addi %mul3A_19, %add3A_23 : i32
      %get3A_25 = arith.index_cast %add3A_24 : i32 to index
      %get3A_26 = arith.constant 0 : index
      %get3A_27 = tpu.vector_load %arg4[%get3A_25, %get3A_26] {strides = array<i32>} : memref<3120x16xf32, #tpu.memory_space<vmem>>, vector<16xf32>,
      %add3A_28 = arith.addf %scan3A_15, %get3A_27 : vector<16xf32>
      %add3A_29 = arith.constant 2 : i32
      %add3A_30 = arith.addi %mul3A_19, %add3A_29 : i32
      %get3A_31 = arith.index_cast %add3A_30 : i32 to index
      %get3A_32 = arith.constant 0 : index
      %get3A_33 = tpu.vector_load %arg4[%get3A_31, %get3A_32] {strides = array<i32>} : memref<3120x16xf32, #tpu.memory_space<vmem>>, vector<16xf32>,
      %add3A_34 = arith.addf %scan3A_16, %get3A_33 : vector<16xf32>
      %add3A_35 = arith.constant 3 : i32
      %add3A_36 = arith.addi %mul3A_19, %add3A_35 : i32
      %get3A_37 = arith.index_cast %add3A_36 : i32 to index
      %get3A_38 = arith.constant 0 : index
      %get3A_39 = tpu.vector_load %arg4[%get3A_37, %get3A_38] {strides = array<i32>} : memref<3120x16xf32, #tpu.memory_space<vmem>>, vector<16xf32>,
      %add3A_40 = arith.addf %scan3A_17, %get3A_39 : vector<16xf32>
      scf.yield %add3A_22, %add3A_28, %add3A_34, %add3A_40 : vector<16xf32>, vector<16xf32>, vector<16xf32>, vector<16xf32>
    }
    %scan3A_8 = arith.constant 780 : i32
    %add3A_9 = arith.addf %scan3A_7#0, %scan3A_7#1 : vector<16xf32>
    %add3A_10 = arith.addf %scan3A_7#2, %scan3A_7#3 : vector<16xf32>
    %add3A_11 = arith.addf %add3A_9, %add3A_10 : vector<16xf32>
    %swap3A = arith.constant 0 : index
    %swap3A_12 = tpu.vector_load %arg5[%swap3A] {strides = array<i32>} : memref<16xf32, #tpu.memory_space<vmem>>, vector<16xf32>,
    tpu.vector_store %arg5[%swap3A], %add3A_11 {strides = array<i32>} : memref<16xf32, #tpu.memory_space<vmem>>, vector<16xf32>,
    "tpu.region"() ({
      %run_scoped3A = tpu.sem_alloc : memref<!tpu.dma_semaphore, #tpu.memory_space<semaphore_mem>>
      %dma_start3A = arith.constant 0 : i32
      %dma_start3A_13 = tpu.memref_slice %arg3[%add3A, %dma_start3A] : memref<32x16xf32, #tpu.memory_space<hbm>> -> memref<1x16xf32, #tpu.memory_space<hbm>>
      %dma_start3A_14 = tpu.memref_squeeze %dma_start3A_13 : memref<1x16xf32, #tpu.memory_space<hbm>> -> memref<16xf32, #tpu.memory_space<hbm>>
      %dma_start3A_15 = arith.constant 0 : i32
      %dma_start3A_16 = tpu.memref_slice %arg3[%add3A, %dma_start3A_15] : memref<32x16xf32, #tpu.memory_space<hbm>> -> memref<1x16xf32, #tpu.memory_space<hbm>>
      %dma_start3A_17 = tpu.memref_squeeze %dma_start3A_16 : memref<1x16xf32, #tpu.memory_space<hbm>> -> memref<16xf32, #tpu.memory_space<hbm>>
      tpu.enqueue_dma source(%arg5 : memref<16xf32, #tpu.memory_space<vmem>>) target(%dma_start3A_17 : memref<16xf32, #tpu.memory_space<hbm>>) target_semaphore(%run_scoped3A : memref<!tpu.dma_semaphore, #tpu.memory_space<semaphore_mem>>)
      %dma_wait3A = arith.constant 0 : i32
      %dma_wait3A_18 = tpu.memref_slice %arg3[%add3A, %dma_wait3A] : memref<32x16xf32, #tpu.memory_space<hbm>> -> memref<1x16xf32, #tpu.memory_space<hbm>>
      %dma_wait3A_19 = tpu.memref_squeeze %dma_wait3A_18 : memref<1x16xf32, #tpu.memory_space<hbm>> -> memref<16xf32, #tpu.memory_space<hbm>>
      %dma_wait3A_20 = arith.constant 0 : i32
      %dma_wait3A_21 = tpu.memref_slice %arg3[%add3A, %dma_wait3A_20] : memref<32x16xf32, #tpu.memory_space<hbm>> -> memref<1x16xf32, #tpu.memory_space<hbm>>
      %dma_wait3A_22 = tpu.memref_squeeze %dma_wait3A_21 : memref<1x16xf32, #tpu.memory_space<hbm>> -> memref<16xf32, #tpu.memory_space<hbm>>
      tpu.wait_dma2 semaphore(%run_scoped3A : memref<!tpu.dma_semaphore, #tpu.memory_space<semaphore_mem>>) src(%arg5 : memref<16xf32, #tpu.memory_space<vmem>>) dst(%dma_wait3A_22 : memref<16xf32, #tpu.memory_space<hbm>>)
      tpu.yield
    }) : () -> ()
    return
  }
}

module attributes {stable_mosaic.version = 14 : i64} {
  func.func @_kern(%arg0: i32, %arg1: memref<32x16xf32, #tpu.memory_space<vmem>>, %arg2: memref<160x12xf32, #tpu.memory_space<vmem>>, %arg3: memref<11x12xf32, #tpu.memory_space<vmem>>, %arg4: memref<1x11xf32, #tpu.memory_space<vmem>>, %arg5: memref<1x11xf32, #tpu.memory_space<vmem>>, %arg6: memref<1x1xf32, #tpu.memory_space<vmem>>, %arg7: memref<1x1xf32, #tpu.memory_space<vmem>>) attributes {dimension_semantics = [#tpu.dimension_semantics<arbitrary>], iteration_bounds = array<i64: 1>, scalar_prefetch = 0 : i64, scratch_operands = 0 : i64, tpu.core_type = #tpu.core_type<tc>, window_params = [{pipeline_mode = #tpu.pipeline_mode<synchronous>, transform_indices = @transform_0, window_bounds = array<i64: 32, 16>}, {transform_indices = @transform_1, window_bounds = array<i64: 160, 12>}, {pipeline_mode = #tpu.pipeline_mode<synchronous>, transform_indices = @transform_2, window_bounds = array<i64: 11, 12>}, {pipeline_mode = #tpu.pipeline_mode<synchronous>, transform_indices = @transform_3, window_bounds = array<i64: 1, 11>}, {pipeline_mode = #tpu.pipeline_mode<synchronous>, transform_indices = @transform_4, window_bounds = array<i64: 1, 11>}, {pipeline_mode = #tpu.pipeline_mode<synchronous>, transform_indices = @transform_5, window_bounds = array<i64: 1, 1>}, {pipeline_mode = #tpu.pipeline_mode<synchronous>, transform_indices = @transform_6, window_bounds = array<i64: 1, 1>}]} {
    %get3A = arith.constant 0 : index
    %get3A_0 = arith.constant 0 : index
    %get3A_1 = vector.load %arg1[%get3A, %get3A_0] : memref<32x16xf32, #tpu.memory_space<vmem>>, vector<32x16xf32>
    %reduce_sum3A = arith.constant dense<0.000000e+00> : vector<16xf32>
    %reduce_sum3A_2 = vector.multi_reduction <add>, %get3A_1, %reduce_sum3A [0] : vector<32x16xf32> to vector<16xf32>
    %broadcast_in_dim3A = vector.shape_cast %reduce_sum3A_2 : vector<16xf32> to vector<1x16xf32>
    %iota3A = tpu.iota {dimensions = array<i32: 0>} : vector<16x12xi32>
    %iota3A_3 = tpu.iota {dimensions = array<i32: 1>} : vector<16x12xi32>
    %eq3A = arith.cmpi eq, %iota3A, %iota3A_3 : vector<16x12xi32>
    %convert_element_type3A = arith.extui %eq3A : vector<16x12xi1> to vector<16x12xi32>
    %convert_element_type3A_4 = arith.sitofp %convert_element_type3A : vector<16x12xi32> to vector<16x12xf32>
    %dot_general3A = arith.constant dense<0.000000e+00> : vector<1x12xf32>
    %dot_general3A_5 = tpu.matmul %broadcast_in_dim3A, %convert_element_type3A_4, %dot_general3A {dimension_numbers = #tpu.dot_dimension_numbers<[1], [0], [0], [1], [0, 0, 1, 1], [], []>, transpose_lhs_hint = false} : vector<1x16xf32>, vector<16x12xf32>, vector<1x12xf32> -> vector<1x12xf32>
    %get3A_6 = arith.constant 0 : index
    %get3A_7 = arith.constant 0 : index
    %get3A_8 = vector.load %arg2[%get3A_6, %get3A_7] : memref<160x12xf32, #tpu.memory_space<vmem>>, vector<160x12xf32>
    %reduce_sum3A_9 = arith.constant dense<0.000000e+00> : vector<12xf32>
    %reduce_sum3A_10 = vector.multi_reduction <add>, %get3A_8, %reduce_sum3A_9 [0] : vector<160x12xf32> to vector<12xf32>
    %broadcast_in_dim3A_11 = vector.shape_cast %reduce_sum3A_10 : vector<12xf32> to vector<1x12xf32>
    %add3A = arith.addf %dot_general3A_5, %broadcast_in_dim3A_11 : vector<1x12xf32>
    %mul3A = arith.constant 2.000000e-05 : f32
    %mul3A_12 = vector.broadcast %mul3A : f32 to vector<1x12xf32>
    %mul3A_13 = arith.mulf %add3A, %mul3A_12 : vector<1x12xf32>
    %get3A_14 = arith.constant 0 : index
    %get3A_15 = arith.constant 0 : index
    %get3A_16 = vector.load %arg3[%get3A_14, %get3A_15] : memref<11x12xf32, #tpu.memory_space<vmem>>, vector<11x12xf32>
    %mul3A_17 = vector.broadcast %mul3A_13 : vector<1x12xf32> to vector<11x12xf32>
    %mul3A_18 = arith.mulf %get3A_16, %mul3A_17 : vector<11x12xf32>
    %reduce_sum3A_19 = arith.constant dense<0.000000e+00> : vector<11xf32>
    %reduce_sum3A_20 = vector.multi_reduction <add>, %mul3A_18, %reduce_sum3A_19 [1] : vector<11x12xf32> to vector<11xf32>
    %broadcast_in_dim3A_21 = vector.shape_cast %reduce_sum3A_20 : vector<11xf32> to vector<11x1xf32>
    %transpose3A = tpu.transpose %broadcast_in_dim3A_21, [1, 0] : vector<11x1xf32> -> vector<1x11xf32>
    %get3A_22 = arith.constant 0 : index
    %get3A_23 = arith.constant 0 : index
    %get3A_24 = vector.load %arg4[%get3A_22, %get3A_23] : memref<1x11xf32, #tpu.memory_space<vmem>>, vector<1x11xf32>
    %add3A_25 = arith.addf %transpose3A, %get3A_24 : vector<1x11xf32>
    %max3A = arith.constant 0.000000e+00 : f32
    %max3A_26 = vector.broadcast %max3A : f32 to vector<1x11xf32>
    %max3A_27 = arith.maximumf %add3A_25, %max3A_26 : vector<1x11xf32>
    %get3A_28 = arith.constant 0 : index
    %get3A_29 = arith.constant 0 : index
    %get3A_30 = vector.load %arg5[%get3A_28, %get3A_29] : memref<1x11xf32, #tpu.memory_space<vmem>>, vector<1x11xf32>
    %mul3A_31 = arith.mulf %max3A_27, %get3A_30 : vector<1x11xf32>
    %reduce_sum3A_32 = arith.constant dense<0.000000e+00> : vector<1xf32>
    %reduce_sum3A_33 = vector.multi_reduction <add>, %mul3A_31, %reduce_sum3A_32 [1] : vector<1x11xf32> to vector<1xf32>
    %broadcast_in_dim3A_34 = vector.shape_cast %reduce_sum3A_33 : vector<1xf32> to vector<1x1xf32>
    %get3A_35 = arith.constant 0 : index
    %get3A_36 = arith.constant 0 : index
    %get3A_37 = vector.load %arg6[%get3A_35, %get3A_36] : memref<1x1xf32, #tpu.memory_space<vmem>>, vector<1x1xf32>
    %add3A_38 = arith.addf %broadcast_in_dim3A_34, %get3A_37 : vector<1x1xf32>
    %swap3A = arith.constant 0 : index
    %swap3A_39 = arith.constant 0 : index
    %swap3A_40 = vector.load %arg7[%swap3A, %swap3A_39] : memref<1x1xf32, #tpu.memory_space<vmem>>, vector<1x1xf32>
    tpu.vector_store %arg7[%swap3A, %swap3A_39], %add3A_38 {strides = array<i32>} : memref<1x1xf32, #tpu.memory_space<vmem>>, vector<1x1xf32>,
    return
  }
  func.func @transform_0(%arg0: i32) -> (i32, i32) {
    %c0_i32 = arith.constant 0 : i32
    %c0_i32_0 = arith.constant 0 : i32
    %c0_i32_1 = arith.constant 0 : i32
    return %c0_i32, %c0_i32_0 : i32, i32
  }
  func.func @transform_1(%arg0: i32) -> (i32, i32) {
    %c624_i32 = arith.constant 624 : i32
    %c0_i32 = arith.constant 0 : i32
    %c0_i32_0 = arith.constant 0 : i32
    return %c624_i32, %c0_i32 : i32, i32
  }
  func.func @transform_2(%arg0: i32) -> (i32, i32) {
    %c0_i32 = arith.constant 0 : i32
    %c0_i32_0 = arith.constant 0 : i32
    %c0_i32_1 = arith.constant 0 : i32
    return %c0_i32, %c0_i32_0 : i32, i32
  }
  func.func @transform_3(%arg0: i32) -> (i32, i32) {
    %c0_i32 = arith.constant 0 : i32
    %c0_i32_0 = arith.constant 0 : i32
    %c0_i32_1 = arith.constant 0 : i32
    return %c0_i32, %c0_i32_0 : i32, i32
  }
  func.func @transform_4(%arg0: i32) -> (i32, i32) {
    %c0_i32 = arith.constant 0 : i32
    %c0_i32_0 = arith.constant 0 : i32
    %c0_i32_1 = arith.constant 0 : i32
    return %c0_i32, %c0_i32_0 : i32, i32
  }
  func.func @transform_5(%arg0: i32) -> (i32, i32) {
    %c0_i32 = arith.constant 0 : i32
    %c0_i32_0 = arith.constant 0 : i32
    %c0_i32_1 = arith.constant 0 : i32
    return %c0_i32, %c0_i32_0 : i32, i32
  }
  func.func @transform_6(%arg0: i32) -> (i32, i32) {
    %c0_i32 = arith.constant 0 : i32
    %c0_i32_0 = arith.constant 0 : i32
    %c0_i32_1 = arith.constant 0 : i32
    return %c0_i32, %c0_i32_0 : i32, i32
  }
}

</mosaic_0001>

<sc_bundles>
// kernel: kernel.4.cloned.1.call-start
scs
__scs_entry_jumppad:
0x0: {  	(pc) =	sbr.rel $0x88, $3  }
0x1: {  	(tag) =	ssettag $0x0;
	lr =	simm.s32 $0x1  }
0x2: {  	[smem:$0x3F9C] =	sst lr;
	_ =	strace $0xD0000000  }
0x3: {  	_ = 	snop  }
0x4: {  	_ = 	snop  }
0x5: {  	_ = 	snop  }
0x6: {  	_ = 	snop  }
0x7: {  	_ = 	snop  }
__scs_overlays_trampoline_lowered:
0x8: {  	[smem:$0x3FAB] =	sst s0  }
0x9: {  	[smem:$0x3FAC] =	sst s1  }
0xa: {  	[smem:$0x3FAD] =	sst s2  }
0xb: {  	[smem:$0x3FAE] =	sst s3  }
0xc: {  	[smem:$0x3FAF] =	sst s4  }
0xd: {  	[smem:$0x3FB0] =	sst s5  }
0xe: {  	[smem:$0x3FB1] =	sst s6  }
0xf: {  	[smem:$0x3FB2] =	sst s7  }
0x10: {  	[smem:$0x3FB3] =	sst s8  }
0x11: {  	[smem:$0x3FB4] =	sst s9;
	s0 =	simm.s32 @!p0 $0x0  }
0x12: {  	s1 =	sld [smem:$0x3F9A];
	s0 =	simm.s32 @p0 $0x1  }
0x13: {  	[smem:$0x3FB5] =	sst s0;
	s0 =	simm.s32 @!p1 $0x0  }
0x14: {  	s2 =	sld [smem:$0x3F99];
	s0 =	simm.s32 @p1 $0x1  }
0x15: {  	[smem:$0x3FB6] =	sst s0;
	s0 =	simm.s32 @!p2 $0x0  }
0x16: {  	s3 =	sld [smem:$0x3FDB];
	s0 =	simm.s32 @p2 $0x1  }
0x17: {  	s4 =	simm.s32 $0x1BF5;
	[smem:$0x3FB8] =	sst s0  }
0x18: {  	s0 =	sld [smem:$0x3F9B];
	_ =	swait.ge [sflag:s4], $0x0  }
0x19: {  	s7 =	sld [smem:$0x3F9C]  }
0x1a: {  	s8 =	sadd.s32 $0xFFFFE003, lr  }
0x1b: {  	s9 =	sadd.s32 $0xFFFFFEF7, lr;
	s5 =	simm.s32 $0xFFFFFFFF;
	p2 =	slt.u32 s8, $0xFFFFF086  }
0x1c: {  	p1 =	slt.u32 s9, $0xF7A;
	s5 =	simm.s32 @!p2 $0x0  }
0x1d: {  	s5 =	simm.s32 @p1 $0x1;
	p0 =	seq.s32 s7, s2  }
0x1e: {  	s7 =	smul.u32 @!p0 $0xF7A, s2;
	p2 =	seq.s32 @!p0 s5, $0x0  }
0x1f: {  	s9 =	smul.u32 $0xF7A, s1;
	s8 =	simm.s32 @!p0 $0x1BF5;
	p2 =	por !p2, p0  }
0x20: {  	[sflag:s8] =	ssyncset.s32 @!p0 $0xFFFFF086;
	s6 =	sadd.s32 @!p0 s3, s7;
	s7 =	simm.s32 @!p0 $0x108  }
0x21: {  	s3 =	sadd.s32 s3, s9;
	s6 =	sadd.s32 @!p0 $0x88, s6;
	s7 =	simm.s32 @p2 $0x1082  }
0x22: {  	[simem:s7], [sflag:s8] =	dma.local @!p0 [hbm:s6], $0xF7A  }
0x23: {  	s9 =	sor.u32 $0xD0000000, s2;
	s6 =	simm.s32 $0x108;
	_ =	swait.ge @!p0 [sflag:s8], $0x0  }
0x24: {  	s3 =	sadd.s32 $0x88, s3;
	s6 =	simm.s32 @!p1 $0x1082;
	[sflag:s4] =	ssyncset.s32 $0xFFFFF086  }
0x25: {  	[simem:s6], [sflag:s4] =	dma.local [hbm:s3], $0xF7A  }
0x26: {  	[smem:$0x3F9C] =	sst s1;
	(tag) =	ssettag s2;
	_ =	strace s9  }
0x27: {  	s1 =	sld [smem:$0x3FAC]  }
0x28: {  	s2 =	sld [smem:$0x3FAD]  }
0x29: {  	s4 =	sld [smem:$0x3FAF]  }
0x2a: {  	p0 =	seq.s32 s5, $0x0;
	s5 =	sld [smem:$0x3FB0]  }
0x2b: {  	s6 =	sld [smem:$0x3FB1]  }
0x2c: {  	s7 =	sld [smem:$0x3FB2]  }
0x2d: {  	s3 =	simm.s32 $0x108;
	s8 =	sld [smem:$0x3FB3]  }
0x2e: {  	s3 =	simm.s32 @!p0 $0x1082;
	s9 =	sld [smem:$0x3FB4]  }
0x2f: {  	lr =	sadd.s32 s0, s3;
	s0 =	sld [smem:$0x3FAB]  }
0x30: {  	s3 =	sld [smem:$0x3FAE]  }
0x31: {  	[smem:$0x3FB7] =	sst s10  }
0x32: {  	s10 =	sld [smem:$0x3FB5];
	_ =	sdelay $0x3  }
0x33: {  	p0 =	seq.s32 s10, $0x1;
	s10 =	sld [smem:$0x3FB7];
	_ =	sdelay $0x3  }
0x34: {  	[smem:$0x3FB7] =	sst s10  }
0x35: {  	s10 =	sld [smem:$0x3FB6];
	_ =	sdelay $0x3  }
0x36: {  	p1 =	seq.s32 s10, $0x1;
	s10 =	sld [smem:$0x3FB7];
	_ =	sdelay $0x3  }
0x37: {  	[smem:$0x3FB7] =	sst s10  }
0x38: {  	s10 =	sld [smem:$0x3FB8]  }
0x39: {  	_ = 	snop;
	(pc) =	sbr.ind lr, $3  }
0x3a: {  	_ = 	snop  }
0x3b: {  	_ = 	snop  }
0x3c: {  	p2 =	seq.s32 s10, $0x1;
	s10 =	sld [smem:$0x3FB7]  }
0x3d: {  	_ =	shalt  }
0x3e: {  	_ =	shalt  }
0x3f: {  	_ =	shalt  }
0x40: {  	_ =	shalt  }
0x41: {  	_ =	shalt  }
0x42: {  	_ =	shalt  }
0x43: {  	_ =	shalt  }
0x44: {  	_ =	shalt  }
0x45: {  	_ =	shalt  }
0x46: {  	_ =	shalt  }
0x47: {  	_ =	shalt  }
0x48: {  	_ =	shalt  }
0x49: {  	_ =	shalt  }
0x4a: {  	_ =	shalt  }
0x4b: {  	_ =	shalt  }
0x4c: {  	_ =	shalt  }
0x4d: {  	_ =	shalt  }
0x4e: {  	_ =	shalt  }
0x4f: {  	_ =	shalt  }
0x50: {  	_ =	shalt  }
0x51: {  	_ =	shalt  }
0x52: {  	_ =	shalt  }
0x53: {  	_ =	shalt  }
0x54: {  	_ =	shalt  }
0x55: {  	_ =	shalt  }
0x56: {  	_ =	shalt  }
0x57: {  	_ =	shalt  }
0x58: {  	_ =	shalt  }
0x59: {  	_ =	shalt  }
0x5a: {  	_ =	shalt  }
0x5b: {  	_ =	shalt  }
0x5c: {  	_ =	shalt  }
0x5d: {  	_ =	shalt  }
0x5e: {  	_ =	shalt  }
0x5f: {  	_ =	shalt  }
0x60: {  	_ =	shalt  }
0x61: {  	_ =	shalt  }
0x62: {  	_ =	shalt  }
0x63: {  	_ =	shalt  }
0x64: {  	_ =	shalt  }
0x65: {  	_ =	shalt  }
0x66: {  	_ =	shalt  }
0x67: {  	_ =	shalt  }
0x68: {  	_ =	shalt  }
0x69: {  	_ =	shalt  }
0x6a: {  	_ =	shalt  }
0x6b: {  	_ =	shalt  }
0x6c: {  	_ =	shalt  }
0x6d: {  	_ =	shalt  }
0x6e: {  	_ =	shalt  }
0x6f: {  	_ =	shalt  }
0x70: {  	_ =	shalt  }
0x71: {  	_ =	shalt  }
0x72: {  	_ =	shalt  }
0x73: {  	_ =	shalt  }
0x74: {  	_ =	shalt  }
0x75: {  	_ =	shalt  }
0x76: {  	_ =	shalt  }
0x77: {  	_ =	shalt  }
0x78: {  	_ =	shalt  }
0x79: {  	_ =	shalt  }
0x7a: {  	_ =	shalt  }
0x7b: {  	_ =	shalt  }
0x7c: {  	_ =	shalt  }
0x7d: {  	_ =	shalt  }
0x7e: {  	_ =	shalt  }
0x7f: {  	_ =	shalt  }
0x80: {  	_ =	shalt  }
0x81: {  	_ =	shalt  }
0x82: {  	_ =	shalt  }
0x83: {  	_ =	shalt  }
0x84: {  	_ =	shalt  }
0x85: {  	_ =	shalt  }
0x86: {  	_ =	shalt  }
0x87: {  	_ =	shalt  }
.Lfunc_end0:
.L_simem_size_0:
called_computation_lowered:
.L_overlay_start_0:
0x88: {  	s2 =	sld [smem:$0x3FD9]  }
0x89: {  	s3 =	sld [smem:$0x3FFE];
	_ =	sdelay $0x1  }
0x8a: {  	s1 =	srdreg.scid  }
0x8b: {  	s0 =	sand.u32 $0x1, s1  }
0x8c: {  	s16 =	sshll.u32 s0, $0xA;
	s2 =	sadd.s32 s3, s2  }
0x8d: {  	s2 =	sadd.s32 s2, s16  }
0x8e: {  	[smem:$0x3FC3] =	sst s2  }
0x8f: {  	_ = 	snop  }
0x90: {  	(tm) =	ssettm $0x1  }
0x91: {  	s17 =	sld [smem:$0x3FFB];
	_ =	sdelay $0x3  }
0x92: {  	_ =	strace s17  }
0x93: {  	s2 =	sld [smem:$0x3FFC];
	_ =	sdelay $0x3  }
0x94: {  	_ =	strace s2  }
0x95: {  	s2 =	sld [smem:$0x3FFD];
	_ =	sdelay $0x3  }
0x96: {  	_ =	strace s2  }
0x97: {  	_ =	strace $0x8FFFFFFF  }
0x98: {  	s18 =	sld [smem:$0x3FDB];
	_ =	sdelay $0x1  }
0x99: {  	s19 =	simm.s32 $_scs_section_size  }
0x9a: {  	s4 =	simm.s32 $_size__tile_overlayer_lowered;
	s5 =	simm.s32 $_tile_overlayer_lowered  }
0x9b: {  	s22 =	simm.s32 $0x1BFF;
	s21 =	sshll.u32 s5, $0x1;
	s2 =	sadd.s32 s19, s18  }
0x9c: {  	s6 =	simm.s32 $0x0;
	s20 =	sshll.u32 s4, $0x1;
	s4 =	sadd.s32 s21, s2  }
0x9d: {  	[timem:s6], [sflag:s22] =	dma.local [hbm:s4], s20  }
0x9e: {  	_ =	swait.ge [sflag:s22], s20  }
0x9f: {  	s3 =	ssub.s32 $0x0, s20;
	[sflag:s22] =	ssyncset.done $0x0  }
0xa0: {  	[sflag:s22] =	ssyncadd.s32 s3;
	_ =	sdelay $0x1  }
0xa1: {  	s23 =	simm.s32 $0x1B8B  }
0xa2: {  	_ =	swait.ge [sflag:s23], $0x1  }
0xa3: {  	[sflag:s23] =	ssyncset.done $0x0  }
0xa4: {  	s25 =	simm.s32 $0x1B8E;
	s24 =	sld [smem:$0x3FFE];
	[sflag:s23] =	ssyncadd.s32 $0xFFFFFFFF  }
0xa5: {  	s26 =	simm.s32 $execute0_lowered;
	[smem:$0x3FD2] =	sst s25  }
0xa6: {  	s4 =	sshll.u32 s26, $0x1;
	_ =	strace $0x80000046;
	[dreg:$0x1] =	wrdreg $0xFFFFFFFF  }
0xa7: {  	s28 =	simm.s32 $_size_execute0_lowered;
	s2 =	sadd.s32 s2, s4;
	[dreg:$0x0] =	wrdreg $0x0  }
0xa8: {  	s4 =	sshll.u32 s28, $0x1;
	[dreg:$0x2] =	wrdreg s2  }
0xa9: {  	[dreg:$0x3] =	wrdreg s4  }
0xaa: {  	[dreg:$0x4] =	wrdreg $0xC0  }
0xab: {  	_ =	task [dreg:s6], $0x5FFFF  }
0xac: {  	[dreg:$0x1] =	wrdreg $0xFFFFFFFF  }
0xad: {  	[dreg:$0x0] =	wrdreg $0x60  }
0xae: {  	[dreg:$0x2] =	wrdreg s24  }
0xaf: {  	[dreg:$0x3] =	wrdreg $0x9  }
0xb0: {  	_ =	task.clear_ibuf [dreg:s6], $0x4FFFF;
	_ =	strace $0x90000046  }
0xb1: {  	s29 =	simm.s32 $0x9;
	_ =	strace $0x80000048  }
0xb2: {  	_ =	swait.ge [sflag:s29], $0x1  }
0xb3: {  	[sflag:s29] =	ssyncadd.s32 $0xFFFFFFFF  }
0xb4: {  	_ =	strace $0x90000048  }
0xb5: {  	_ =	sfence  }
0xb6: {  	s30 =	sld [smem:$0x0];
	_ =	sdelay $0x2  }
0xb7: {  	s31 =	sshll.u32 s1, $0xD;
	s1 =	sshrl.u32 s1, $0x2  }
0xb8: {  	s3 =	sand.u32 $0x4000, s31;
	s1 =	sadd.s32 s1, s30  }
0xb9: {  	s0 =	sor.u32 s3, s0;
	s1 =	sshll.u32 s1, $0x11  }
0xba: {  	s0 =	sor.u32 s1, s0  }
0xbb: {  	s0 =	sadd.s32 $0x8F2B, s0  }
0xbc: {  	[sflag:s0] =	ssyncadd.remote.s32 $0x1  }
0xbd: {  	_ =	sfence.sel $0xFFFF  }
0xbe: {  	[dreg:$0x0] =	wrdreg $0xFFFFFFFF;
	(pc) =	sbr.abs _section_cstart, $3  }
0xbf: {  	[dreg:$0x1] =	wrdreg $0xFFFFFFFF  }
0xc0: {  	_ =	task.clear_ibuf [dreg:s6], $0x2FFFF;
	_ =	strace $0x9FFFFFFF  }
0xc1: {  	(tm) =	ssettm $0x7FFFFFFF  }
tec
execute0_lowered:
.L_overlay_start_1:
0x0: {  	(tag) =	ssettag $0x1  }
0x1: {  	s1 =	srdreg.scid;
	s0 =	stileid.u32  }
0x2: {  	s3 =	rddreg [dreg:$0x0];
	s2 =	simm.s32 $0x0;
	s8 =	simm.s32 $0x0  }
0x3: {  	s4 =	sand.u32 $0x1, s1;
	s5 =	sshll.u32 s0, $0x1;
	s1 =	rddreg [dreg:$0x1]  }
0x4: {  	[smem:$0x7FF] =	sst s2;
	s5 =	sor.u32 s4, s5;
	s4 =	ssub.s32 $0x2, s4  }
0x5: {  	s6 =	smul.u32 $0x1860, s5;
	s5 =	sshll.u32 s5, $0x1;
	s7 =	sshrl.u32 s4, $0x1  }
0x6: {  	_ =	strace $0x80000047;
	s5 =	sadd.s32 s5, s3;
	s7 =	ssub.s32 s4, s7  }
0x7: {  	s6 =	sadd.s32 s6, s3;
	s4 =	sadd.s32 $0x187400, s5;
	s5 =	smax.u32 s7, $0x1  }
0x8: {  	s7 =	simm.s32 $0xC300;
	s3 =	sadd.s32 $0x30DE00, s6;
	s6 =	simm.s32 $0x1  }
.LBB2_1:
0x9: {  	[tilespmem:s2], [sflag:$0x1] =	stream.linear.gather [hbm4b:s3+s2], $0xC300, $0x38;
	[tilespmem:$0xC310] =	vst v63  }
0xa: {  	_ =	swait.ge [sflag:s6], $0xC300  }
0xb: {  	[sflag:s6] =	ssyncset.done $0x0  }
0xc: {  	s10 =	simm.s32 $0x0;
	[sflag:s6] =	ssyncadd.s32 $0xFFFF3D00  }
0xd: {  	v1 =	vld [tilespmem:s10+$0x30]  }
0xe: {  	v2 =	vld [tilespmem:s10+$0x0]  }
0xf: {  	v0 =	vimm.f32 $0.0e+00;
	v3 =	vld [tilespmem:s10+$0x10]  }
0x10: {  	s9 =	simm.s32 $0x100;
	v5 =	vimm.f32 $0.0e+00;
	v6 =	vimm.f32 $0.0e+00;
	v7 =	vimm.f32 $0.0e+00;
	v4 =	vld [tilespmem:s10+$0x20]  }
.LBB2_2:
0x11: {  	p0 =	sne.s32 s9, $0x30B00  }
.Ltmp0:
0x12: {  	s10 =	sshra.s32 s9, $0x2;
	s9 =	sadd.s32 $0x100, s9;
	v0 =	vadd.f32 v1, v0;
	(pc) =	sbr.rel @p0 .LBB2_2-.Ltmp0, $4  }
0x13: {  	v1 =	vld [tilespmem:s10+$0x30];
	v5 =	vadd.f32 v2, v5  }
0x14: {  	v2 =	vld [tilespmem:s10+$0x0];
	v6 =	vadd.f32 v3, v6  }
0x15: {  	v3 =	vld [tilespmem:s10+$0x10];
	v7 =	vadd.f32 v4, v7  }
0x16: {  	v4 =	vld [tilespmem:s10+$0x20]  }
0x17: {  	_ =	sdelay $0x2  }
0x18: {  	v0 =	vadd.f32 v1, v0;
	v61 =	vadd.f32 v2, v5  }
0x19: {  	v62 =	vadd.f32 v3, v6;
	v63 =	vadd.f32 v4, v7;
	_ =	sdelay $0x1  }
0x1a: {  	v1 =	vadd.f32 v62, v61;
	v0 =	vadd.f32 v0, v63;
	_ =	sdelay $0x1  }
0x1b: {  	s8 =	sadd.s32 $0x1, s8;
	v0 =	vadd.f32 v0, v1  }
0x1c: {  	p0 =	sne.s32 s8, s5  }
.Ltmp1:
0x1d: {  	[tilespmem:$0xC300] =	vst v0;
	(pc) =	sbr.rel @p0 .LBB2_1-.Ltmp1, $4  }
0x1e: {  	[hbm4b:s4+s2] =	stream.linear.scatter [tilespmem:s7], [sflag:$0x1], $0x10, $0x38;
	[tilespmem:$0xC310] =	vst v63  }
0x1f: {  	_ =	swait.ge [sflag:s6], $0x10  }
0x20: {  	[sflag:s6] =	ssyncset.done $0x0  }
0x21: {  	[sflag:s6] =	ssyncadd.s32 $0xFFFFFFF0  }
0x22: {  	_ =	sfence.sel $0x180000  }
0x23: {  	[bflag:$0x0] =	sbarrier.arrive $0xFFFF  }
0x24: {  	p0 =	sne.s32 s0, $0x0;
	_ =	strace $0x90000047  }
0x25: {  	s0 =	sadd.s32 @!p0 $0x100000, s1;
	[bflag:$0x2] =	sbarrier.arrive $0xFFFF  }
0x26: {  	[sflag:s0] =	ssyncadd.tile.s32 @!p0 $0x1;
	_ =	shalt  }
.Lfunc_end2:
_tile_overlayer_lowered:
.L_overlay_start_2:
0x27: {  	(tag) =	ssettag $0x2  }
0x28: {  	s0 =	rddreg [dreg:$0x0];
	s2 =	stileid.u32  }
0x29: {  	s1 =	rddreg [dreg:$0x1];
	p0 =	sne.s32 s2, $0x0  }
0x2a: {  	s3 =	rddreg [dreg:$0x2];
	[bflag:$0x3] =	sbarrier.arrive $0xFFFF;
	s2 =	simm.s32 @!p0 $0x1C01  }
0x2b: {  	[timem:s3], [sflag:s2] =	dma.local @!p0 [hbm:s0], s1  }
0x2c: {  	s0 =	simm.s32 @!p0 $0x1  }
0x2d: {  	_ =	swait.ge @!p0 [sflag:s0], s1  }
0x2e: {  	s1 =	ssub.s32 @!p0 $0x0, s1;
	[sflag:s0] =	ssyncset.done @!p0 $0x0  }
0x2f: {  	[sflag:s0] =	ssyncadd.s32 @!p0 s1  }
0x30: {  	[bflag:$0x3] =	sbarrier.arrive $0xFFFF  }
0x31: {  	_ =	shalt  }

</sc_bundles>
